<compile_context>
chip_gen: v7x
topology: tpu7x:2x2x1
jax: 0.10.2.dev20260603
libtpu: 0.0.44.dev20260713+nightly
codegen_flags: <defaults>
</compile_context>

<pallas_src>
import jax
import jax.numpy as jnp
from jax import lax
from jax.experimental import pallas as pl
from jax.experimental.pallas import tpu as pltpu
from jax.experimental.pallas import tpu_sc as plsc

N_BITS = 32
N_GROUPS = 4
BPG = 8
BATCH = 16384
NC = 1
NS = 16
NW = NC * NS
RPW = BATCH // NW
STEPS = RPW // 16
NPLANES = 8
MAGIC = 0x01020408
TOFF = (0, 256, 768, 1792)
TCOLS = 3840


def _sc_body(bits_hbm, tbl_hbm, out_hbm, bits_v, tbl_v, out_v, sem):
    wid = lax.axis_index("s") * NC + lax.axis_index("c")
    base = pl.multiple_of(wid * RPW, 8)
    c1 = pltpu.async_copy(bits_hbm.at[:, pl.ds(base, RPW)], bits_v, sem)
    c2 = pltpu.async_copy(tbl_hbm, tbl_v, sem)
    c1.wait()
    c2.wait()

    @plsc.parallel_loop(0, STEPS, unroll=1)
    def step(i):
        r = i * 16
        addrs = []
        for g in range(N_GROUPS):
            w_lo = bits_v[2 * g, pl.ds(r, 16)]
            w_hi = bits_v[2 * g + 1, pl.ds(r, 16)]
            addrs.append(((w_lo * MAGIC) >> 24)
                         + 16 * ((w_hi * MAGIC) >> 24))
        w0 = plsc.load_gather(tbl_v, [addrs[0]])
        c0 = (w0 >> 8) & 1
        w1 = plsc.load_gather(tbl_v, [addrs[1] + 256 * c0 + TOFF[1]])
        c1b = (w1 >> 8) & 1
        w2 = plsc.load_gather(
            tbl_v, [addrs[2] + 256 * (c0 + 2 * c1b) + TOFF[2]])
        c2b = (w2 >> 8) & 1
        w3 = plsc.load_gather(
            tbl_v, [addrs[3] + 256 * (c0 + 2 * c1b + 4 * c2b) + TOFF[3]])
        out_v[pl.ds(i * 16, 16)] = ((w0 & 255) | ((w1 & 255) << 8)
                                    | ((w2 & 255) << 16) | ((w3 & 255) << 24))

    pltpu.sync_copy(out_v, out_hbm.at[pl.ds(base, RPW)])


@jax.jit
def _mapper(pbits, ptbl):
    mesh = plsc.VectorSubcoreMesh(
        core_axis_name="c", subcore_axis_name="s", num_cores=NC)
    f = pl.kernel(
        _sc_body,
        mesh=mesh,
        compiler_params=pltpu.CompilerParams(
            needs_layout_passes=False, use_tc_tiling_on_sc=False),
        out_type=jax.ShapeDtypeStruct((BATCH,), jnp.int32),
        scratch_types=[
            pltpu.VMEM((NPLANES, RPW), jnp.int32),
            pltpu.VMEM((TCOLS,), jnp.int32),
            pltpu.VMEM((RPW,), jnp.int32),
            pltpu.SemaphoreType.DMA,
        ],
    )
    return f(pbits, ptbl)


def kernel(bits, group_mem_0, group_mem_1, group_mem_2, group_mem_3,
           carry_mem_0, carry_mem_1, carry_mem_2):
    pbits = jax.lax.bitcast_convert_type(
        bits.astype(jnp.int8).reshape(BATCH, NPLANES, 4), jnp.int32).T
    tblf = jnp.concatenate(
        [group_mem_0, group_mem_1, group_mem_2, group_mem_3], axis=1)
    shifts = jnp.arange(BPG, dtype=jnp.int32)[:, None]
    ptbl = jnp.sum(tblf.astype(jnp.int32) << shifts, axis=0, dtype=jnp.int32)
    carry_col = jnp.concatenate([
        carry_mem_0[0],
        jnp.tile(carry_mem_1[0], 2),
        jnp.tile(carry_mem_2[0], 4),
        jnp.zeros((2048,), jnp.float32),
    ])
    ptbl = ptbl | (carry_col.astype(jnp.int32) << 8)
    outw = _mapper(pbits, ptbl)
    cols = jnp.arange(N_BITS, dtype=jnp.int32)[None, :]
    return ((outw[:, None] >> cols) & 1).astype(jnp.float32)

# --- scband reference (transcript-rebuilt; emitter-appended) ---
"""Pipeline reference for scband-compositional-mapper-18691697672521 (READ-ONLY COPY).

The authoritative reference and input builder live on the scoring server;
editing this copy changes nothing except your own understanding.
"""

import jax, jax.numpy as jnp
import numpy as np

N_BITS = 32
N_GROUPS = 4
BPG = N_BITS // N_GROUPS  # 8 bits per group
BATCH = 16384


def setup_inputs(seed: int = 0) -> dict:
    key = jax.random.key(seed)
    ks = jax.random.split(key, 16)
    inp = {}
    # binary input tokens [batch, n_bits]
    inp["bits"] = jax.random.randint(ks[0], (BATCH, N_BITS), 0, 2, dtype=jnp.int32)
    # group mapper RAM tables: group g sees bits_per_group + g input bits (cross_group_context)
    for g in range(N_GROUPS):
        in_bits = BPG + g
        inp[f"group_mem_{g}"] = jax.random.randint(
            ks[1 + g], (BPG, 2 ** in_bits), 0, 2
        ).astype(jnp.float32)
    # carry detector RAM tables: 1 neuron over bits_per_group input bits
    for g in range(N_GROUPS - 1):
        inp[f"carry_mem_{g}"] = jax.random.randint(
            ks[1 + N_GROUPS + g], (1, 2 ** BPG), 0, 2
        ).astype(jnp.float32)
    return inp


def _pack_address(bits_2d):
    # bits_2d: [B, n] binary ints -> [B] integer RAM address
    n = bits_2d.shape[1]
    weights = (2 ** jnp.arange(n, dtype=jnp.int32))
    return jnp.sum(bits_2d * weights, axis=1)


def reference(bits, group_mem_0, group_mem_1, group_mem_2, group_mem_3,
              carry_mem_0, carry_mem_1, carry_mem_2):
    group_mems = [group_mem_0, group_mem_1, group_mem_2, group_mem_3]
    carry_mems = [carry_mem_0, carry_mem_1, carry_mem_2]

    outputs = []
    carries = []  # list of [B] int arrays, one per completed group
    for g in range(N_GROUPS):
        group_bits = bits[:, g * BPG:(g + 1) * BPG]  # [B, BPG]
        if g > 0:
            carry_bits = jnp.stack(carries, axis=1)  # [B, g]
            mapper_in = jnp.concatenate([group_bits, carry_bits], axis=1)
        else:
            mapper_in = group_bits
        addr = _pack_address(mapper_in)  # [B]
        # RAM lookup: mem [BPG, 2^n] gathered at addr -> [B, BPG]
        group_out = jnp.take(group_mems[g], addr, axis=1).T
        outputs.append(group_out)
        if g < N_GROUPS - 1:
            caddr = _pack_address(group_bits)
            carry = carry_mems[g][0, caddr]  # [B] float in {0,1}
            # torch uses .item() -> python int; emulate with round + int cast
            carries.append(jnp.round(jax.lax.stop_gradient(carry)).astype(jnp.int32))
    return jnp.concatenate(outputs, axis=1)  # [B, N_BITS]

if __name__ == "__main__":
    import jax
    _d = setup_inputs()
    print(jax.jit(kernel)(*tuple(_d.values())))

</pallas_src>

<mosaic_0001>
#map = affine_map<(d0, d1) -> (0, 0)>
#map1 = affine_map<(d0, d1) -> (0)>
module attributes {stable_mosaic.version = 14 : i64} {
  func.func @_sc_body(%arg0: i32, %arg1: i32, %arg2: memref<8x16384xi32, #tpu.memory_space<hbm>>, %arg3: memref<3840xi32, #tpu.memory_space<hbm>>, %arg4: memref<16384xi32, #tpu.memory_space<hbm>>, %arg5: memref<8x1024xi32, #tpu.memory_space<vmem>>, %arg6: memref<3840xi32, #tpu.memory_space<vmem>>, %arg7: memref<1024xi32, #tpu.memory_space<vmem>>, %arg8: memref<!tpu.dma_semaphore, #tpu.memory_space<semaphore_mem>>) attributes {dimension_semantics = [#tpu.dimension_semantics<core_parallel>, #tpu.dimension_semantics<subcore_parallel>], iteration_bounds = array<i64: 1, 16>, scalar_prefetch = 0 : i64, scratch_operands = 4 : i64, tpu.core_type = #tpu.core_type<sc_vector_subcore>, window_params = [{transform_indices = #map}, {transform_indices = #map1}, {transform_indices = #map1}]} {
    %mul3A = arith.constant 1 : i32
    %mul3A_0 = arith.muli %arg1, %mul3A : i32
    %add3A = arith.addi %mul3A_0, %arg0 : i32
    %mul3A_1 = arith.constant 1024 : i32
    %mul3A_2 = arith.muli %add3A, %mul3A_1 : i32
    %multiple_of3A = tpu.assume_multiple %mul3A_2, 8 : i32
    %dma_start3A = arith.constant 0 : i32
    %dma_start3A_3 = tpu.memref_slice %arg2[%dma_start3A, %multiple_of3A] : memref<8x16384xi32, #tpu.memory_space<hbm>> -> memref<8x1024xi32, #tpu.memory_space<hbm>>
    %dma_start3A_4 = arith.constant 0 : i32
    %dma_start3A_5 = tpu.memref_slice %arg2[%dma_start3A_4, %multiple_of3A] : memref<8x16384xi32, #tpu.memory_space<hbm>> -> memref<8x1024xi32, #tpu.memory_space<hbm>>
    tpu.enqueue_dma source(%dma_start3A_5 : memref<8x1024xi32, #tpu.memory_space<hbm>>) target(%arg5 : memref<8x1024xi32, #tpu.memory_space<vmem>>) target_semaphore(%arg8 : memref<!tpu.dma_semaphore, #tpu.memory_space<semaphore_mem>>)
    tpu.enqueue_dma source(%arg3 : memref<3840xi32, #tpu.memory_space<hbm>>) target(%arg6 : memref<3840xi32, #tpu.memory_space<vmem>>) target_semaphore(%arg8 : memref<!tpu.dma_semaphore, #tpu.memory_space<semaphore_mem>>)
    %dma_wait3A = arith.constant 0 : i32
    %dma_wait3A_6 = tpu.memref_slice %arg2[%dma_wait3A, %multiple_of3A] : memref<8x16384xi32, #tpu.memory_space<hbm>> -> memref<8x1024xi32, #tpu.memory_space<hbm>>
    %dma_wait3A_7 = arith.constant 0 : i32
    %dma_wait3A_8 = tpu.memref_slice %arg2[%dma_wait3A_7, %multiple_of3A] : memref<8x16384xi32, #tpu.memory_space<hbm>> -> memref<8x1024xi32, #tpu.memory_space<hbm>>
    tpu.wait_dma2 semaphore(%arg8 : memref<!tpu.dma_semaphore, #tpu.memory_space<semaphore_mem>>) src(%dma_wait3A_8 : memref<8x1024xi32, #tpu.memory_space<hbm>>) dst(%arg5 : memref<8x1024xi32, #tpu.memory_space<vmem>>)
    tpu.wait_dma2 semaphore(%arg8 : memref<!tpu.dma_semaphore, #tpu.memory_space<semaphore_mem>>) src(%arg3 : memref<3840xi32, #tpu.memory_space<hbm>>) dst(%arg6 : memref<3840xi32, #tpu.memory_space<vmem>>)
    %parallel_loop3A = arith.constant 0 : i32
    %parallel_loop3A_9 = arith.constant 64 : i32
    %parallel_loop3A_10 = arith.constant 1 : i32
    scf.for %parallel_loop3A_11 = %parallel_loop3A to %parallel_loop3A_9 step %parallel_loop3A_10  : i32 {
      %parallel_loop3A_12 = arith.constant 16 : i32
      %parallel_loop3A_13 = arith.muli %parallel_loop3A_11, %parallel_loop3A_12 : i32
      %parallel_loop3A_14 = arith.constant 0 : i32
      %parallel_loop3A_15 = arith.index_cast %parallel_loop3A_14 : i32 to index
      %parallel_loop3A_16 = arith.index_cast %parallel_loop3A_13 : i32 to index
      %parallel_loop3A_17 = tpu.vector_load %arg5[%parallel_loop3A_15, %parallel_loop3A_16] {strides = array<i32>} : memref<8x1024xi32, #tpu.memory_space<vmem>>, vector<16xi32>,
      %parallel_loop3A_18 = arith.constant 1 : i32
      %parallel_loop3A_19 = arith.index_cast %parallel_loop3A_18 : i32 to index
      %parallel_loop3A_20 = arith.index_cast %parallel_loop3A_13 : i32 to index
      %parallel_loop3A_21 = tpu.vector_load %arg5[%parallel_loop3A_19, %parallel_loop3A_20] {strides = array<i32>} : memref<8x1024xi32, #tpu.memory_space<vmem>>, vector<16xi32>,
      %parallel_loop3A_22 = arith.constant 16909320 : i32
      %parallel_loop3A_23 = vector.broadcast %parallel_loop3A_22 : i32 to vector<16xi32>
      %parallel_loop3A_24 = arith.muli %parallel_loop3A_17, %parallel_loop3A_23 : vector<16xi32>
      %parallel_loop3A_25 = arith.constant 24 : i32
      %parallel_loop3A_26 = vector.broadcast %parallel_loop3A_25 : i32 to vector<16xi32>
      %parallel_loop3A_27 = arith.shrsi %parallel_loop3A_24, %parallel_loop3A_26 : vector<16xi32>
      %parallel_loop3A_28 = arith.constant 16909320 : i32
      %parallel_loop3A_29 = vector.broadcast %parallel_loop3A_28 : i32 to vector<16xi32>
      %parallel_loop3A_30 = arith.muli %parallel_loop3A_21, %parallel_loop3A_29 : vector<16xi32>
      %parallel_loop3A_31 = arith.constant 24 : i32
      %parallel_loop3A_32 = vector.broadcast %parallel_loop3A_31 : i32 to vector<16xi32>
      %parallel_loop3A_33 = arith.shrsi %parallel_loop3A_30, %parallel_loop3A_32 : vector<16xi32>
      %parallel_loop3A_34 = arith.constant 16 : i32
      %parallel_loop3A_35 = vector.broadcast %parallel_loop3A_34 : i32 to vector<16xi32>
      %parallel_loop3A_36 = arith.muli %parallel_loop3A_35, %parallel_loop3A_33 : vector<16xi32>
      %parallel_loop3A_37 = arith.addi %parallel_loop3A_27, %parallel_loop3A_36 : vector<16xi32>
      %parallel_loop3A_38 = arith.constant 2 : i32
      %parallel_loop3A_39 = arith.index_cast %parallel_loop3A_38 : i32 to index
      %parallel_loop3A_40 = arith.index_cast %parallel_loop3A_13 : i32 to index
      %parallel_loop3A_41 = tpu.vector_load %arg5[%parallel_loop3A_39, %parallel_loop3A_40] {strides = array<i32>} : memref<8x1024xi32, #tpu.memory_space<vmem>>, vector<16xi32>,
      %parallel_loop3A_42 = arith.constant 3 : i32
      %parallel_loop3A_43 = arith.index_cast %parallel_loop3A_42 : i32 to index
      %parallel_loop3A_44 = arith.index_cast %parallel_loop3A_13 : i32 to index
      %parallel_loop3A_45 = tpu.vector_load %arg5[%parallel_loop3A_43, %parallel_loop3A_44] {strides = array<i32>} : memref<8x1024xi32, #tpu.memory_space<vmem>>, vector<16xi32>,
      %parallel_loop3A_46 = arith.constant 16909320 : i32
      %parallel_loop3A_47 = vector.broadcast %parallel_loop3A_46 : i32 to vector<16xi32>
      %parallel_loop3A_48 = arith.muli %parallel_loop3A_41, %parallel_loop3A_47 : vector<16xi32>
      %parallel_loop3A_49 = arith.constant 24 : i32
      %parallel_loop3A_50 = vector.broadcast %parallel_loop3A_49 : i32 to vector<16xi32>
      %parallel_loop3A_51 = arith.shrsi %parallel_loop3A_48, %parallel_loop3A_50 : vector<16xi32>
      %parallel_loop3A_52 = arith.constant 16909320 : i32
      %parallel_loop3A_53 = vector.broadcast %parallel_loop3A_52 : i32 to vector<16xi32>
      %parallel_loop3A_54 = arith.muli %parallel_loop3A_45, %parallel_loop3A_53 : vector<16xi32>
      %parallel_loop3A_55 = arith.constant 24 : i32
      %parallel_loop3A_56 = vector.broadcast %parallel_loop3A_55 : i32 to vector<16xi32>
      %parallel_loop3A_57 = arith.shrsi %parallel_loop3A_54, %parallel_loop3A_56 : vector<16xi32>
      %parallel_loop3A_58 = arith.constant 16 : i32
      %parallel_loop3A_59 = vector.broadcast %parallel_loop3A_58 : i32 to vector<16xi32>
      %parallel_loop3A_60 = arith.muli %parallel_loop3A_59, %parallel_loop3A_57 : vector<16xi32>
      %parallel_loop3A_61 = arith.addi %parallel_loop3A_51, %parallel_loop3A_60 : vector<16xi32>
      %parallel_loop3A_62 = arith.constant 4 : i32
      %parallel_loop3A_63 = arith.index_cast %parallel_loop3A_62 : i32 to index
      %parallel_loop3A_64 = arith.index_cast %parallel_loop3A_13 : i32 to index
      %parallel_loop3A_65 = tpu.vector_load %arg5[%parallel_loop3A_63, %parallel_loop3A_64] {strides = array<i32>} : memref<8x1024xi32, #tpu.memory_space<vmem>>, vector<16xi32>,
      %parallel_loop3A_66 = arith.constant 5 : i32
      %parallel_loop3A_67 = arith.index_cast %parallel_loop3A_66 : i32 to index
      %parallel_loop3A_68 = arith.index_cast %parallel_loop3A_13 : i32 to index
      %parallel_loop3A_69 = tpu.vector_load %arg5[%parallel_loop3A_67, %parallel_loop3A_68] {strides = array<i32>} : memref<8x1024xi32, #tpu.memory_space<vmem>>, vector<16xi32>,
      %parallel_loop3A_70 = arith.constant 16909320 : i32
      %parallel_loop3A_71 = vector.broadcast %parallel_loop3A_70 : i32 to vector<16xi32>
      %parallel_loop3A_72 = arith.muli %parallel_loop3A_65, %parallel_loop3A_71 : vector<16xi32>
      %parallel_loop3A_73 = arith.constant 24 : i32
      %parallel_loop3A_74 = vector.broadcast %parallel_loop3A_73 : i32 to vector<16xi32>
      %parallel_loop3A_75 = arith.shrsi %parallel_loop3A_72, %parallel_loop3A_74 : vector<16xi32>
      %parallel_loop3A_76 = arith.constant 16909320 : i32
      %parallel_loop3A_77 = vector.broadcast %parallel_loop3A_76 : i32 to vector<16xi32>
      %parallel_loop3A_78 = arith.muli %parallel_loop3A_69, %parallel_loop3A_77 : vector<16xi32>
      %parallel_loop3A_79 = arith.constant 24 : i32
      %parallel_loop3A_80 = vector.broadcast %parallel_loop3A_79 : i32 to vector<16xi32>
      %parallel_loop3A_81 = arith.shrsi %parallel_loop3A_78, %parallel_loop3A_80 : vector<16xi32>
      %parallel_loop3A_82 = arith.constant 16 : i32
      %parallel_loop3A_83 = vector.broadcast %parallel_loop3A_82 : i32 to vector<16xi32>
      %parallel_loop3A_84 = arith.muli %parallel_loop3A_83, %parallel_loop3A_81 : vector<16xi32>
      %parallel_loop3A_85 = arith.addi %parallel_loop3A_75, %parallel_loop3A_84 : vector<16xi32>
      %parallel_loop3A_86 = arith.constant 6 : i32
      %parallel_loop3A_87 = arith.index_cast %parallel_loop3A_86 : i32 to index
      %parallel_loop3A_88 = arith.index_cast %parallel_loop3A_13 : i32 to index
      %parallel_loop3A_89 = tpu.vector_load %arg5[%parallel_loop3A_87, %parallel_loop3A_88] {strides = array<i32>} : memref<8x1024xi32, #tpu.memory_space<vmem>>, vector<16xi32>,
      %parallel_loop3A_90 = arith.constant 7 : i32
      %parallel_loop3A_91 = arith.index_cast %parallel_loop3A_90 : i32 to index
      %parallel_loop3A_92 = arith.index_cast %parallel_loop3A_13 : i32 to index
      %parallel_loop3A_93 = tpu.vector_load %arg5[%parallel_loop3A_91, %parallel_loop3A_92] {strides = array<i32>} : memref<8x1024xi32, #tpu.memory_space<vmem>>, vector<16xi32>,
      %parallel_loop3A_94 = arith.constant 16909320 : i32
      %parallel_loop3A_95 = vector.broadcast %parallel_loop3A_94 : i32 to vector<16xi32>
      %parallel_loop3A_96 = arith.muli %parallel_loop3A_89, %parallel_loop3A_95 : vector<16xi32>
      %parallel_loop3A_97 = arith.constant 24 : i32
      %parallel_loop3A_98 = vector.broadcast %parallel_loop3A_97 : i32 to vector<16xi32>
      %parallel_loop3A_99 = arith.shrsi %parallel_loop3A_96, %parallel_loop3A_98 : vector<16xi32>
      %parallel_loop3A_100 = arith.constant 16909320 : i32
      %parallel_loop3A_101 = vector.broadcast %parallel_loop3A_100 : i32 to vector<16xi32>
      %parallel_loop3A_102 = arith.muli %parallel_loop3A_93, %parallel_loop3A_101 : vector<16xi32>
      %parallel_loop3A_103 = arith.constant 24 : i32
      %parallel_loop3A_104 = vector.broadcast %parallel_loop3A_103 : i32 to vector<16xi32>
      %parallel_loop3A_105 = arith.shrsi %parallel_loop3A_102, %parallel_loop3A_104 : vector<16xi32>
      %parallel_loop3A_106 = arith.constant 16 : i32
      %parallel_loop3A_107 = vector.broadcast %parallel_loop3A_106 : i32 to vector<16xi32>
      %parallel_loop3A_108 = arith.muli %parallel_loop3A_107, %parallel_loop3A_105 : vector<16xi32>
      %parallel_loop3A_109 = arith.addi %parallel_loop3A_99, %parallel_loop3A_108 : vector<16xi32>
      %parallel_loop3A_110 = tpu.vector_load_idx %arg6[%parallel_loop3A_37] : memref<3840xi32, #tpu.memory_space<vmem>>[vector<16xi32>], vector<16xi32>,
      %parallel_loop3A_111 = arith.constant 8 : i32
      %parallel_loop3A_112 = vector.broadcast %parallel_loop3A_111 : i32 to vector<16xi32>
      %parallel_loop3A_113 = arith.shrsi %parallel_loop3A_110, %parallel_loop3A_112 : vector<16xi32>
      %parallel_loop3A_114 = arith.constant 1 : i32
      %parallel_loop3A_115 = vector.broadcast %parallel_loop3A_114 : i32 to vector<16xi32>
      %parallel_loop3A_116 = arith.andi %parallel_loop3A_113, %parallel_loop3A_115 : vector<16xi32>
      %parallel_loop3A_117 = arith.constant 256 : i32
      %parallel_loop3A_118 = vector.broadcast %parallel_loop3A_117 : i32 to vector<16xi32>
      %parallel_loop3A_119 = arith.muli %parallel_loop3A_118, %parallel_loop3A_116 : vector<16xi32>
      %parallel_loop3A_120 = arith.addi %parallel_loop3A_61, %parallel_loop3A_119 : vector<16xi32>
      %parallel_loop3A_121 = arith.constant 256 : i32
      %parallel_loop3A_122 = vector.broadcast %parallel_loop3A_121 : i32 to vector<16xi32>
      %parallel_loop3A_123 = arith.addi %parallel_loop3A_120, %parallel_loop3A_122 : vector<16xi32>
      %parallel_loop3A_124 = tpu.vector_load_idx %arg6[%parallel_loop3A_123] : memref<3840xi32, #tpu.memory_space<vmem>>[vector<16xi32>], vector<16xi32>,
      %parallel_loop3A_125 = arith.constant 8 : i32
      %parallel_loop3A_126 = vector.broadcast %parallel_loop3A_125 : i32 to vector<16xi32>
      %parallel_loop3A_127 = arith.shrsi %parallel_loop3A_124, %parallel_loop3A_126 : vector<16xi32>
      %parallel_loop3A_128 = arith.constant 1 : i32
      %parallel_loop3A_129 = vector.broadcast %parallel_loop3A_128 : i32 to vector<16xi32>
      %parallel_loop3A_130 = arith.andi %parallel_loop3A_127, %parallel_loop3A_129 : vector<16xi32>
      %parallel_loop3A_131 = arith.constant 2 : i32
      %parallel_loop3A_132 = vector.broadcast %parallel_loop3A_131 : i32 to vector<16xi32>
      %parallel_loop3A_133 = arith.muli %parallel_loop3A_132, %parallel_loop3A_130 : vector<16xi32>
      %parallel_loop3A_134 = arith.addi %parallel_loop3A_116, %parallel_loop3A_133 : vector<16xi32>
      %parallel_loop3A_135 = arith.constant 256 : i32
      %parallel_loop3A_136 = vector.broadcast %parallel_loop3A_135 : i32 to vector<16xi32>
      %parallel_loop3A_137 = arith.muli %parallel_loop3A_136, %parallel_loop3A_134 : vector<16xi32>
      %parallel_loop3A_138 = arith.addi %parallel_loop3A_85, %parallel_loop3A_137 : vector<16xi32>
      %parallel_loop3A_139 = arith.constant 768 : i32
      %parallel_loop3A_140 = vector.broadcast %parallel_loop3A_139 : i32 to vector<16xi32>
      %parallel_loop3A_141 = arith.addi %parallel_loop3A_138, %parallel_loop3A_140 : vector<16xi32>
      %parallel_loop3A_142 = tpu.vector_load_idx %arg6[%parallel_loop3A_141] : memref<3840xi32, #tpu.memory_space<vmem>>[vector<16xi32>], vector<16xi32>,
      %parallel_loop3A_143 = arith.constant 8 : i32
      %parallel_loop3A_144 = vector.broadcast %parallel_loop3A_143 : i32 to vector<16xi32>
      %parallel_loop3A_145 = arith.shrsi %parallel_loop3A_142, %parallel_loop3A_144 : vector<16xi32>
      %parallel_loop3A_146 = arith.constant 1 : i32
      %parallel_loop3A_147 = vector.broadcast %parallel_loop3A_146 : i32 to vector<16xi32>
      %parallel_loop3A_148 = arith.andi %parallel_loop3A_145, %parallel_loop3A_147 : vector<16xi32>
      %parallel_loop3A_149 = arith.constant 2 : i32
      %parallel_loop3A_150 = vector.broadcast %parallel_loop3A_149 : i32 to vector<16xi32>
      %parallel_loop3A_151 = arith.muli %parallel_loop3A_150, %parallel_loop3A_130 : vector<16xi32>
      %parallel_loop3A_152 = arith.addi %parallel_loop3A_116, %parallel_loop3A_151 : vector<16xi32>
      %parallel_loop3A_153 = arith.constant 4 : i32
      %parallel_loop3A_154 = vector.broadcast %parallel_loop3A_153 : i32 to vector<16xi32>
      %parallel_loop3A_155 = arith.muli %parallel_loop3A_154, %parallel_loop3A_148 : vector<16xi32>
      %parallel_loop3A_156 = arith.addi %parallel_loop3A_152, %parallel_loop3A_155 : vector<16xi32>
      %parallel_loop3A_157 = arith.constant 256 : i32
      %parallel_loop3A_158 = vector.broadcast %parallel_loop3A_157 : i32 to vector<16xi32>
      %parallel_loop3A_159 = arith.muli %parallel_loop3A_158, %parallel_loop3A_156 : vector<16xi32>
      %parallel_loop3A_160 = arith.addi %parallel_loop3A_109, %parallel_loop3A_159 : vector<16xi32>
      %parallel_loop3A_161 = arith.constant 1792 : i32
      %parallel_loop3A_162 = vector.broadcast %parallel_loop3A_161 : i32 to vector<16xi32>
      %parallel_loop3A_163 = arith.addi %parallel_loop3A_160, %parallel_loop3A_162 : vector<16xi32>
      %parallel_loop3A_164 = tpu.vector_load_idx %arg6[%parallel_loop3A_163] : memref<3840xi32, #tpu.memory_space<vmem>>[vector<16xi32>], vector<16xi32>,
      %parallel_loop3A_165 = arith.constant 255 : i32
      %parallel_loop3A_166 = vector.broadcast %parallel_loop3A_165 : i32 to vector<16xi32>
      %parallel_loop3A_167 = arith.andi %parallel_loop3A_110, %parallel_loop3A_166 : vector<16xi32>
      %parallel_loop3A_168 = arith.constant 255 : i32
      %parallel_loop3A_169 = vector.broadcast %parallel_loop3A_168 : i32 to vector<16xi32>
      %parallel_loop3A_170 = arith.andi %parallel_loop3A_124, %parallel_loop3A_169 : vector<16xi32>
      %parallel_loop3A_171 = arith.constant 8 : i32
      %parallel_loop3A_172 = vector.broadcast %parallel_loop3A_171 : i32 to vector<16xi32>
      %parallel_loop3A_173 = arith.shli %parallel_loop3A_170, %parallel_loop3A_172 : vector<16xi32>
      %parallel_loop3A_174 = arith.ori %parallel_loop3A_167, %parallel_loop3A_173 : vector<16xi32>
      %parallel_loop3A_175 = arith.constant 255 : i32
      %parallel_loop3A_176 = vector.broadcast %parallel_loop3A_175 : i32 to vector<16xi32>
      %parallel_loop3A_177 = arith.andi %parallel_loop3A_142, %parallel_loop3A_176 : vector<16xi32>
      %parallel_loop3A_178 = arith.constant 16 : i32
      %parallel_loop3A_179 = vector.broadcast %parallel_loop3A_178 : i32 to vector<16xi32>
      %parallel_loop3A_180 = arith.shli %parallel_loop3A_177, %parallel_loop3A_179 : vector<16xi32>
      %parallel_loop3A_181 = arith.ori %parallel_loop3A_174, %parallel_loop3A_180 : vector<16xi32>
      %parallel_loop3A_182 = arith.constant 255 : i32
      %parallel_loop3A_183 = vector.broadcast %parallel_loop3A_182 : i32 to vector<16xi32>
      %parallel_loop3A_184 = arith.andi %parallel_loop3A_164, %parallel_loop3A_183 : vector<16xi32>
      %parallel_loop3A_185 = arith.constant 24 : i32
      %parallel_loop3A_186 = vector.broadcast %parallel_loop3A_185 : i32 to vector<16xi32>
      %parallel_loop3A_187 = arith.shli %parallel_loop3A_184, %parallel_loop3A_186 : vector<16xi32>
      %parallel_loop3A_188 = arith.ori %parallel_loop3A_181, %parallel_loop3A_187 : vector<16xi32>
      %parallel_loop3A_189 = arith.constant 16 : i32
      %parallel_loop3A_190 = arith.muli %parallel_loop3A_11, %parallel_loop3A_189 : i32
      %parallel_loop3A_191 = arith.index_cast %parallel_loop3A_190 : i32 to index
      %parallel_loop3A_192 = tpu.vector_load %arg7[%parallel_loop3A_191] {strides = array<i32>} : memref<1024xi32, #tpu.memory_space<vmem>>, vector<16xi32>,
      tpu.vector_store %arg7[%parallel_loop3A_191], %parallel_loop3A_188 {strides = array<i32>} : memref<1024xi32, #tpu.memory_space<vmem>>, vector<16xi32>,
    } {sc.loop_unroll_factor = 1 : i64, sc.parallel_access}
    "tpu.region"() ({
      %run_scoped3A = tpu.sem_alloc : memref<!tpu.dma_semaphore, #tpu.memory_space<semaphore_mem>>
      %dma_start3A_11 = tpu.memref_slice %arg4[%multiple_of3A] : memref<16384xi32, #tpu.memory_space<hbm>> -> memref<1024xi32, #tpu.memory_space<hbm>>
      %dma_start3A_12 = tpu.memref_slice %arg4[%multiple_of3A] : memref<16384xi32, #tpu.memory_space<hbm>> -> memref<1024xi32, #tpu.memory_space<hbm>>
      tpu.enqueue_dma source(%arg7 : memref<1024xi32, #tpu.memory_space<vmem>>) target(%dma_start3A_12 : memref<1024xi32, #tpu.memory_space<hbm>>) target_semaphore(%run_scoped3A : memref<!tpu.dma_semaphore, #tpu.memory_space<semaphore_mem>>)
      %dma_wait3A_13 = tpu.memref_slice %arg4[%multiple_of3A] : memref<16384xi32, #tpu.memory_space<hbm>> -> memref<1024xi32, #tpu.memory_space<hbm>>
      %dma_wait3A_14 = tpu.memref_slice %arg4[%multiple_of3A] : memref<16384xi32, #tpu.memory_space<hbm>> -> memref<1024xi32, #tpu.memory_space<hbm>>
      tpu.wait_dma2 semaphore(%run_scoped3A : memref<!tpu.dma_semaphore, #tpu.memory_space<semaphore_mem>>) src(%arg7 : memref<1024xi32, #tpu.memory_space<vmem>>) dst(%dma_wait3A_14 : memref<1024xi32, #tpu.memory_space<hbm>>)
      tpu.yield
    }) : () -> ()
    return
  }
}

</mosaic_0001>

<sc_bundles>
// kernel: _mapper.3.cloned.1.call-start
scs
__scs_entry_jumppad:
0x0: {  	(pc) =	sbr.rel $0x88, $3  }
0x1: {  	(tag) =	ssettag $0x0;
	lr =	simm.s32 $0x1  }
0x2: {  	[smem:$0x3F9F] =	sst lr;
	_ =	strace $0xD0000000  }
0x3: {  	_ = 	snop  }
0x4: {  	_ = 	snop  }
0x5: {  	_ = 	snop  }
0x6: {  	_ = 	snop  }
0x7: {  	_ = 	snop  }
__scs_overlays_trampoline_lowered:
0x8: {  	[smem:$0x3FAE] =	sst s0  }
0x9: {  	[smem:$0x3FAF] =	sst s1  }
0xa: {  	[smem:$0x3FB0] =	sst s2  }
0xb: {  	[smem:$0x3FB1] =	sst s3  }
0xc: {  	[smem:$0x3FB2] =	sst s4  }
0xd: {  	[smem:$0x3FB3] =	sst s5  }
0xe: {  	[smem:$0x3FB4] =	sst s6  }
0xf: {  	[smem:$0x3FB5] =	sst s7  }
0x10: {  	[smem:$0x3FB6] =	sst s8  }
0x11: {  	[smem:$0x3FB7] =	sst s9;
	s0 =	simm.s32 @!p0 $0x0  }
0x12: {  	s1 =	sld [smem:$0x3F9D];
	s0 =	simm.s32 @p0 $0x1  }
0x13: {  	[smem:$0x3FB8] =	sst s0;
	s0 =	simm.s32 @!p1 $0x0  }
0x14: {  	s2 =	sld [smem:$0x3F9C];
	s0 =	simm.s32 @p1 $0x1  }
0x15: {  	[smem:$0x3FB9] =	sst s0;
	s0 =	simm.s32 @!p2 $0x0  }
0x16: {  	s3 =	sld [smem:$0x3FDB];
	s0 =	simm.s32 @p2 $0x1  }
0x17: {  	s4 =	simm.s32 $0x1BF5;
	[smem:$0x3FBB] =	sst s0  }
0x18: {  	s0 =	sld [smem:$0x3F9E];
	_ =	swait.ge [sflag:s4], $0x0  }
0x19: {  	s7 =	sld [smem:$0x3F9F]  }
0x1a: {  	s8 =	sadd.s32 $0xFFFFE003, lr  }
0x1b: {  	s9 =	sadd.s32 $0xFFFFFEF7, lr;
	s5 =	simm.s32 $0xFFFFFFFF;
	p2 =	slt.u32 s8, $0xFFFFF086  }
0x1c: {  	p1 =	slt.u32 s9, $0xF7A;
	s5 =	simm.s32 @!p2 $0x0  }
0x1d: {  	s5 =	simm.s32 @p1 $0x1;
	p0 =	seq.s32 s7, s2  }
0x1e: {  	s7 =	smul.u32 @!p0 $0xF7A, s2;
	p2 =	seq.s32 @!p0 s5, $0x0  }
0x1f: {  	s9 =	smul.u32 $0xF7A, s1;
	s8 =	simm.s32 @!p0 $0x1BF5;
	p2 =	por !p2, p0  }
0x20: {  	[sflag:s8] =	ssyncset.s32 @!p0 $0xFFFFF086;
	s6 =	sadd.s32 @!p0 s3, s7;
	s7 =	simm.s32 @!p0 $0x108  }
0x21: {  	s3 =	sadd.s32 s3, s9;
	s6 =	sadd.s32 @!p0 $0x88, s6;
	s7 =	simm.s32 @p2 $0x1082  }
0x22: {  	[simem:s7], [sflag:s8] =	dma.local @!p0 [hbm:s6], $0xF7A  }
0x23: {  	s9 =	sor.u32 $0xD0000000, s2;
	s6 =	simm.s32 $0x108;
	_ =	swait.ge @!p0 [sflag:s8], $0x0  }
0x24: {  	s3 =	sadd.s32 $0x88, s3;
	s6 =	simm.s32 @!p1 $0x1082;
	[sflag:s4] =	ssyncset.s32 $0xFFFFF086  }
0x25: {  	[simem:s6], [sflag:s4] =	dma.local [hbm:s3], $0xF7A  }
0x26: {  	[smem:$0x3F9F] =	sst s1;
	(tag) =	ssettag s2;
	_ =	strace s9  }
0x27: {  	s1 =	sld [smem:$0x3FAF]  }
0x28: {  	s2 =	sld [smem:$0x3FB0]  }
0x29: {  	s4 =	sld [smem:$0x3FB2]  }
0x2a: {  	p0 =	seq.s32 s5, $0x0;
	s5 =	sld [smem:$0x3FB3]  }
0x2b: {  	s6 =	sld [smem:$0x3FB4]  }
0x2c: {  	s7 =	sld [smem:$0x3FB5]  }
0x2d: {  	s3 =	simm.s32 $0x108;
	s8 =	sld [smem:$0x3FB6]  }
0x2e: {  	s3 =	simm.s32 @!p0 $0x1082;
	s9 =	sld [smem:$0x3FB7]  }
0x2f: {  	lr =	sadd.s32 s0, s3;
	s0 =	sld [smem:$0x3FAE]  }
0x30: {  	s3 =	sld [smem:$0x3FB1]  }
0x31: {  	[smem:$0x3FBA] =	sst s10  }
0x32: {  	s10 =	sld [smem:$0x3FB8];
	_ =	sdelay $0x3  }
0x33: {  	p0 =	seq.s32 s10, $0x1;
	s10 =	sld [smem:$0x3FBA];
	_ =	sdelay $0x3  }
0x34: {  	[smem:$0x3FBA] =	sst s10  }
0x35: {  	s10 =	sld [smem:$0x3FB9];
	_ =	sdelay $0x3  }
0x36: {  	p1 =	seq.s32 s10, $0x1;
	s10 =	sld [smem:$0x3FBA];
	_ =	sdelay $0x3  }
0x37: {  	[smem:$0x3FBA] =	sst s10  }
0x38: {  	s10 =	sld [smem:$0x3FBB]  }
0x39: {  	_ = 	snop;
	(pc) =	sbr.ind lr, $3  }
0x3a: {  	_ = 	snop  }
0x3b: {  	_ = 	snop  }
0x3c: {  	p2 =	seq.s32 s10, $0x1;
	s10 =	sld [smem:$0x3FBA]  }
0x3d: {  	_ =	shalt  }
0x3e: {  	_ =	shalt  }
0x3f: {  	_ =	shalt  }
0x40: {  	_ =	shalt  }
0x41: {  	_ =	shalt  }
0x42: {  	_ =	shalt  }
0x43: {  	_ =	shalt  }
0x44: {  	_ =	shalt  }
0x45: {  	_ =	shalt  }
0x46: {  	_ =	shalt  }
0x47: {  	_ =	shalt  }
0x48: {  	_ =	shalt  }
0x49: {  	_ =	shalt  }
0x4a: {  	_ =	shalt  }
0x4b: {  	_ =	shalt  }
0x4c: {  	_ =	shalt  }
0x4d: {  	_ =	shalt  }
0x4e: {  	_ =	shalt  }
0x4f: {  	_ =	shalt  }
0x50: {  	_ =	shalt  }
0x51: {  	_ =	shalt  }
0x52: {  	_ =	shalt  }
0x53: {  	_ =	shalt  }
0x54: {  	_ =	shalt  }
0x55: {  	_ =	shalt  }
0x56: {  	_ =	shalt  }
0x57: {  	_ =	shalt  }
0x58: {  	_ =	shalt  }
0x59: {  	_ =	shalt  }
0x5a: {  	_ =	shalt  }
0x5b: {  	_ =	shalt  }
0x5c: {  	_ =	shalt  }
0x5d: {  	_ =	shalt  }
0x5e: {  	_ =	shalt  }
0x5f: {  	_ =	shalt  }
0x60: {  	_ =	shalt  }
0x61: {  	_ =	shalt  }
0x62: {  	_ =	shalt  }
0x63: {  	_ =	shalt  }
0x64: {  	_ =	shalt  }
0x65: {  	_ =	shalt  }
0x66: {  	_ =	shalt  }
0x67: {  	_ =	shalt  }
0x68: {  	_ =	shalt  }
0x69: {  	_ =	shalt  }
0x6a: {  	_ =	shalt  }
0x6b: {  	_ =	shalt  }
0x6c: {  	_ =	shalt  }
0x6d: {  	_ =	shalt  }
0x6e: {  	_ =	shalt  }
0x6f: {  	_ =	shalt  }
0x70: {  	_ =	shalt  }
0x71: {  	_ =	shalt  }
0x72: {  	_ =	shalt  }
0x73: {  	_ =	shalt  }
0x74: {  	_ =	shalt  }
0x75: {  	_ =	shalt  }
0x76: {  	_ =	shalt  }
0x77: {  	_ =	shalt  }
0x78: {  	_ =	shalt  }
0x79: {  	_ =	shalt  }
0x7a: {  	_ =	shalt  }
0x7b: {  	_ =	shalt  }
0x7c: {  	_ =	shalt  }
0x7d: {  	_ =	shalt  }
0x7e: {  	_ =	shalt  }
0x7f: {  	_ =	shalt  }
0x80: {  	_ =	shalt  }
0x81: {  	_ =	shalt  }
0x82: {  	_ =	shalt  }
0x83: {  	_ =	shalt  }
0x84: {  	_ =	shalt  }
0x85: {  	_ =	shalt  }
0x86: {  	_ =	shalt  }
0x87: {  	_ =	shalt  }
.Lfunc_end0:
.L_simem_size_0:
called_computation_lowered:
.L_overlay_start_0:
0x88: {  	s0 =	sld [smem:$0x3FD9]  }
0x89: {  	s1 =	sld [smem:$0x3FFE];
	_ =	sdelay $0x3  }
0x8a: {  	s0 =	sadd.s32 s1, s0  }
0x8b: {  	[smem:$0x3FC6] =	sst s0  }
0x8c: {  	_ = 	snop  }
0x8d: {  	s0 =	sld [smem:$0x3FC8]  }
0x8e: {  	s16 =	sld [smem:$0x3FD0];
	(tm) =	ssettm $0x1  }
0x8f: {  	s2 =	sld [smem:$0x3FFB];
	_ =	sdelay $0x3  }
0x90: {  	_ =	strace s2  }
0x91: {  	s2 =	sld [smem:$0x3FFC];
	_ =	sdelay $0x3  }
0x92: {  	_ =	strace s2  }
0x93: {  	s2 =	sld [smem:$0x3FFD];
	_ =	sdelay $0x3  }
0x94: {  	_ =	strace s2  }
0x95: {  	_ =	strace $0x8FFFFFFF  }
0x96: {  	s17 =	sld [smem:$0x3FDB];
	_ =	sdelay $0x1  }
0x97: {  	s3 =	simm.s32 $_scs_section_size  }
0x98: {  	s4 =	simm.s32 $_size__tile_overlayer_lowered;
	s5 =	simm.s32 $_tile_overlayer_lowered  }
0x99: {  	s20 =	simm.s32 $0x1BFF;
	s19 =	sshll.u32 s5, $0x1;
	s2 =	sadd.s32 s3, s17  }
0x9a: {  	s6 =	simm.s32 $0x0;
	s18 =	sshll.u32 s4, $0x1;
	s4 =	sadd.s32 s19, s2  }
0x9b: {  	[timem:s6], [sflag:s20] =	dma.local [hbm:s4], s18  }
0x9c: {  	_ =	swait.ge [sflag:s20], s18  }
0x9d: {  	s3 =	ssub.s32 $0x0, s18;
	[sflag:s20] =	ssyncset.done $0x0  }
0x9e: {  	[sflag:s20] =	ssyncadd.s32 s3;
	_ =	sdelay $0x1  }
0x9f: {  	s21 =	simm.s32 $0x1B8B  }
0xa0: {  	_ =	swait.ge [sflag:s21], $0x1  }
0xa1: {  	[sflag:s21] =	ssyncset.done $0x0  }
0xa2: {  	s23 =	simm.s32 $0x1B8E;
	s22 =	sld [smem:$0x3FFE];
	[sflag:s21] =	ssyncadd.s32 $0xFFFFFFFF  }
0xa3: {  	s24 =	simm.s32 $execute0_lowered;
	[smem:$0x3FD2] =	sst s23  }
0xa4: {  	s4 =	sshll.u32 s24, $0x1;
	_ =	strace $0x80000046;
	[dreg:$0x1] =	wrdreg $0xFFFFFFFF  }
0xa5: {  	s25 =	simm.s32 $_size_execute0_lowered;
	s2 =	sadd.s32 s2, s4;
	[dreg:$0x0] =	wrdreg $0x0  }
0xa6: {  	s4 =	sshll.u32 s25, $0x1;
	[dreg:$0x2] =	wrdreg s2  }
0xa7: {  	[dreg:$0x3] =	wrdreg s4  }
0xa8: {  	[dreg:$0x4] =	wrdreg $0xC0  }
0xa9: {  	_ =	task [dreg:s6], $0x5FFFF  }
0xaa: {  	[dreg:$0x1] =	wrdreg $0xFFFFFFFF  }
0xab: {  	[dreg:$0x0] =	wrdreg $0x60  }
0xac: {  	[dreg:$0x2] =	wrdreg s22  }
0xad: {  	[dreg:$0x3] =	wrdreg s0  }
0xae: {  	[dreg:$0x4] =	wrdreg s16  }
0xaf: {  	[dreg:$0x5] =	wrdreg $0x9  }
0xb0: {  	_ =	task.clear_ibuf [dreg:s6], $0x6FFFF;
	_ =	strace $0x90000046  }
0xb1: {  	s26 =	simm.s32 $0x9;
	_ =	strace $0x80000048  }
0xb2: {  	_ =	swait.ge [sflag:s26], $0x1  }
0xb3: {  	[sflag:s26] =	ssyncadd.s32 $0xFFFFFFFF  }
0xb4: {  	_ =	strace $0x90000048  }
0xb5: {  	_ =	sfence  }
0xb6: {  	s28 =	sld [smem:$0x0];
	_ =	sdelay $0x1  }
0xb7: {  	s29 =	srdreg.scid  }
0xb8: {  	s30 =	sshll.u32 s29, $0xD;
	s31 =	sshrl.u32 s29, $0x2  }
0xb9: {  	s1 =	sand.u32 $0x1, s29;
	s2 =	sand.u32 $0x4000, s30;
	s0 =	sadd.s32 s31, s28  }
0xba: {  	s1 =	sor.u32 s2, s1;
	s0 =	sshll.u32 s0, $0x11  }
0xbb: {  	s0 =	sor.u32 s0, s1  }
0xbc: {  	s0 =	sadd.s32 $0x8F2B, s0  }
0xbd: {  	[sflag:s0] =	ssyncadd.remote.s32 $0x1  }
0xbe: {  	_ =	sfence.sel $0xFFFF  }
0xbf: {  	[dreg:$0x0] =	wrdreg $0xFFFFFFFF;
	(pc) =	sbr.abs _section_cstart, $3  }
0xc0: {  	[dreg:$0x1] =	wrdreg $0xFFFFFFFF  }
0xc1: {  	_ =	task.clear_ibuf [dreg:s6], $0x2FFFF;
	_ =	strace $0x9FFFFFFF  }
0xc2: {  	(tm) =	ssettm $0x7FFFFFFF  }
0xc3: {  	_ =	shalt  }
tec
execute0_lowered:
.L_overlay_start_1:
0x0: {  	(tag) =	ssettag $0x1  }
0x1: {  	s4 =	rddreg [dreg:$0x0]  }
0x2: {  	s5 =	rddreg [dreg:$0x1]  }
0x3: {  	s2 =	rddreg [dreg:$0x2];
	s1 =	stileid.u32  }
0x4: {  	s0 =	rddreg [dreg:$0x3];
	s6 =	simm.s32 $0x0;
	s3 =	sshll.u32 s1, $0x7  }
0x5: {  	s7 =	simm.s32 $0x400;
	[smem:$0x7FF] =	sst s6;
	s4 =	sadd.s32 s3, s4  }
0x6: {  	s8 =	simm.s32 $0x4000;
	_ =	strace $0x80000047;
	s4 =	sadd.s32 $0x400, s4  }
0x7: {  	[tilespmem:s6], [sflag:$0x1] =	stream.strided.gather [hbm4b:s4+s7], $0x2000, s8, s7, $0x38;
	[tilespmem:$0x3300] =	vst v63  }
0x8: {  	s31 =	simm.s32 $0x1;
	s4 =	simm.s32 $0x2000  }
0x9: {  	[tilespmem:s4], [sflag:$0x1] =	stream.linear.gather [hbm4b:s5+s6], $0xF00, $0x38;
	[tilespmem:$0x3300] =	vst v63  }
0xa: {  	_ =	swait.ge [sflag:s31], $0x2000  }
0xb: {  	[sflag:s31] =	ssyncset.done $0x0  }
0xc: {  	[sflag:s31] =	ssyncadd.s32 $0xFFFFE000  }
0xd: {  	_ =	swait.ge [sflag:s31], $0xF00  }
0xe: {  	[sflag:s31] =	ssyncset.done $0x0  }
0xf: {  	s5 =	simm.s32 $0x0;
	[sflag:s31] =	ssyncadd.s32 $0xFFFFF100  }
0x10: {  	v0 =	vld [tilespmem:s5+$0x400]  }
0x11: {  	v1 =	vld [tilespmem:s5+$0x0];
	_ =	sdelay $0x3  }
0x12: {  	v0 =	vmul.u32 $0x1020408, v0  }
0x13: {  	v1 =	vmul.u32 $0x1020408, v1  }
0x14: {  	v0 =	vshra.s32 v0, $0x14  }
0x15: {  	v1 =	vshra.s32 v1, $0x18;
	v0 =	vand.u32 $0xFFFFFFF0, v0  }
0x16: {  	v0 =	vadd.s32 v1, v0;
	_ =	sdelay $0x2  }
0x17: {  	v2 =	vld [tilespmem:s5+$0xC00]  }
0x18: {  	v3 =	vld [tilespmem:s5+$0x800]  }
0x19: {  	v1 =	vld.idx.msk [tilespmem:v0+s4+$0x0], $0xffff;
	_ =	sdelay $0x2  }
0x1a: {  	v0 =	vmul.u32 $0x1020408, v2  }
0x1b: {  	s6 =	simm.s32 $0x10;
	v2 =	vmul.u32 $0x1020408, v3  }
0x1c: {  	v3 =	vld [tilespmem:s6+$0x400];
	v0 =	vshra.s32 v0, $0x14;
	v4 =	vshrl.u32 v1, $0x8  }
0x1d: {  	v5 =	vld [tilespmem:s6+$0x0];
	v2 =	vshra.s32 v2, $0x18;
	v0 =	vand.u32 $0xFFFFFFF0, v0;
	v4 =	vand.u32 $0x1, v4  }
0x1e: {  	v0 =	vadd.s32 v2, v0;
	v6 =	vshll.u32 v4, $0x8  }
0x1f: {  	v0 =	vadd.s32 v6, v0  }
0x20: {  	v2 =	vand.u32 $0x7, v2;
	v0 =	vand.u32 $0xFFFFFFF8, v0  }
0x21: {  	v3 =	vmul.u32 $0x1020408, v3;
	v0 =	vor.u32 v2, v0  }
0x22: {  	v2 =	vmul.u32 $0x1020408, v5;
	v0 =	vadd.s32 $0x100, v0  }
0x23: {  	v3 =	vshra.s32 v3, $0x14;
	v6 =	vld [tilespmem:s5+$0x1400]  }
0x24: {  	v3 =	vand.u32 $0xFFFFFFF0, v3;
	v5 =	vld [tilespmem:s5+$0x1000];
	v2 =	vshra.s32 v2, $0x18  }
0x25: {  	v7 =	vld [tilespmem:s6+$0x800];
	v3 =	vadd.s32 v2, v3  }
0x26: {  	v8 =	vld [tilespmem:s6+$0xC00]  }
0x27: {  	v2 =	vld.idx.msk [tilespmem:v0+s4+$0x0], $0xffff;
	_ =	sdelay $0x1  }
0x28: {  	v6 =	vmul.u32 $0x1020408, v6;
	v5 =	vmul.u32 $0x1020408, v5  }
0x29: {  	v0 =	vld.idx.msk [tilespmem:v3+s4+$0x0], $0xffff  }
0x2a: {  	v6 =	vshra.s32 v6, $0x14;
	v5 =	vshra.s32 v5, $0x18  }
0x2b: {  	v3 =	vmul.u32 $0x1020408, v7;
	v7 =	vmul.u32 $0x1020408, v8;
	v8 =	vshrl.u32 v2, $0x7  }
0x2c: {  	v6 =	vand.u32 $0xFFFFFFF0, v6;
	v9 =	vand.u32 $0x7, v5;
	v8 =	vand.u32 $0x2, v8  }
0x2d: {  	s7 =	simm.s32 $0x20;
	v10 =	vld [tilespmem:s5+$0x1800];
	v3 =	vshra.s32 v3, $0x18;
	v7 =	vshra.s32 v7, $0x14;
	v8 =	vor.u32 v4, v8  }
0x2e: {  	v12 =	vld [tilespmem:s7+$0x400];
	v4 =	vadd.s32 v5, v6;
	v6 =	vshrl.u32 v0, $0x8;
	v11 =	vshll.u32 v8, $0x8  }
0x2f: {  	v7 =	vand.u32 $0xFFFFFFF0, v7;
	v6 =	vand.u32 $0x1, v6;
	v4 =	vadd.s32 v11, v4;
	v11 =	vld [tilespmem:s7+$0x0]  }
0x30: {  	v14 =	vld [tilespmem:s6+$0x1000];
	v7 =	vadd.s32 v3, v7;
	v13 =	vshll.u32 v6, $0x8;
	v4 =	vand.u32 $0xFFFFFFF8, v4  }
0x31: {  	v5 =	vld [tilespmem:s5+$0x1C00];
	v7 =	vadd.s32 v13, v7;
	v4 =	vor.u32 v9, v4  }
0x32: {  	v3 =	vand.u32 $0x7, v3;
	v13 =	vld [tilespmem:s7+$0x800];
	v7 =	vand.u32 $0xFFFFFFF8, v7;
	v4 =	vadd.s32 $0x300, v4  }
0x33: {  	v12 =	vmul.u32 $0x1020408, v12;
	v9 =	vld [tilespmem:s6+$0x1400];
	v3 =	vor.u32 v3, v7  }
0x34: {  	v7 =	vld [tilespmem:s7+$0xC00];
	v3 =	vadd.s32 $0x100, v3;
	v11 =	vmul.u32 $0x1020408, v11  }
0x35: {  	v12 =	vshra.s32 v12, $0x14  }
0x36: {  	v10 =	vmul.u32 $0x1020408, v10;
	v12 =	vand.u32 $0xFFFFFFF0, v12;
	v11 =	vshra.s32 v11, $0x18  }
0x37: {  	v15 =	vmul.u32 $0x1020408, v5;
	v5 =	vld.idx.msk [tilespmem:v4+s4+$0x0], $0xffff;
	v4 =	vmul.u32 $0x1020408, v14;
	v14 =	vadd.s32 v11, v12  }
0x38: {  	v9 =	vmul.u32 $0x1020408, v9  }
0x39: {  	v10 =	vshra.s32 v10, $0x18;
	v11 =	vmul.u32 $0x1020408, v13;
	v7 =	vmul.u32 $0x1020408, v7;
	v3 =	vld.idx.msk [tilespmem:v3+s4+$0x0], $0xffff  }
0x3a: {  	v9 =	vshra.s32 v9, $0x14;
	v13 =	vshra.s32 v4, $0x18;
	v4 =	vshra.s32 v15, $0x14  }
0x3b: {  	v12 =	vshra.s32 v11, $0x18;
	v15 =	vshra.s32 v7, $0x14;
	v7 =	vand.u32 $0x7, v10  }
0x3c: {  	v11 =	vand.u32 $0x7, v13;
	v16 =	vand.u32 $0xFFFFFFF0, v4;
	v17 =	vshrl.u32 v5, $0x6;
	v4 =	vld.idx.msk [tilespmem:v14+s4+$0x0], $0xffff  }
0x3d: {  	v19 =	vadd.s32 v10, v16;
	v14 =	vand.u32 $0xFFFFFFF0, v15;
	v17 =	vand.u32 $0x4, v17  }
0x3e: {  	v10 =	vld [tilespmem:s6+$0x1C00];
	v15 =	vand.u32 $0xFFFFFFF0, v9;
	v18 =	vshrl.u32 v3, $0x7;
	v8 =	vor.u32 v17, v8  }
0x3f: {  	v9 =	vld [tilespmem:s6+$0x1800];
	v15 =	vadd.s32 v13, v15;
	v13 =	vand.u32 $0x2, v18;
	v8 =	vshll.u32 v8, $0x8  }
0x40: {  	s9 =	simm.s32 $0x100;
	s8 =	simm.s32 $0x30;
	v16 =	vadd.s32 v12, v14;
	v14 =	vld [tilespmem:s7+$0x1000];
	v6 =	vor.u32 v6, v13;
	v13 =	vadd.s32 v8, v19  }
.LBB2_1:
0x41: {  	p0 =	sne.s32 s9, $0xFC0;
	v8 =	vld [tilespmem:s8+$0x400];
	v17 =	vshrl.u32 v4, $0x8;
	v18 =	vshll.u32 v6, $0x8;
	v13 =	vand.u32 $0xFFFFFFF8, v13  }
0x42: {  	v19 =	vld [tilespmem:s8+$0x0];
	v17 =	vand.u32 $0x1, v17;
	v15 =	vadd.s32 v18, v15;
	v7 =	vor.u32 v7, v13  }
0x43: {  	v13 =	vld [tilespmem:s7+$0x1400];
	v18 =	vshll.u32 v17, $0x8;
	v15 =	vand.u32 $0xFFFFFFF8, v15;
	v7 =	vadd.s32 $0x700, v7  }
0x44: {  	v20 =	vld [tilespmem:s8+$0x800];
	v16 =	vadd.s32 v18, v16;
	v11 =	vor.u32 v11, v15  }
0x45: {  	v12 =	vand.u32 $0x7, v12;
	v15 =	vld [tilespmem:s8+$0xC00];
	v16 =	vand.u32 $0xFFFFFFF8, v16;
	v11 =	vadd.s32 $0x300, v11  }
0x46: {  	v9 =	vmul.u32 $0x1020408, v9;
	v8 =	vmul.u32 $0x1020408, v8;
	v12 =	vor.u32 v12, v16  }
0x47: {  	v10 =	vmul.u32 $0x1020408, v10;
	v16 =	vmul.u32 $0x1020408, v19;
	v12 =	vadd.s32 $0x100, v12  }
0x48: {  	v14 =	vmul.u32 $0x1020408, v14;
	v8 =	vshra.s32 v8, $0x14;
	v13 =	vmul.u32 $0x1020408, v13;
	v7 =	vld.idx.msk [tilespmem:v7+s4+$0x0], $0xffff  }
0x49: {  	v16 =	vshra.s32 v16, $0x18;
	v8 =	vand.u32 $0xFFFFFFF0, v8;
	v18 =	vmul.u32 $0x1020408, v20  }
0x4a: {  	v8 =	vadd.s32 v16, v8;
	v15 =	vmul.u32 $0x1020408, v15;
	v16 =	vshra.s32 v9, $0x18;
	v9 =	vld.idx.msk [tilespmem:v11+s4+$0x0], $0xffff  }
0x4b: {  	v10 =	vshra.s32 v10, $0x14;
	v14 =	vshra.s32 v14, $0x18;
	v11 =	vshll.u32 v2, $0x8;
	v2 =	vmovc v3  }
0x4c: {  	v5 =	vshll.u32 v5, $0x10;
	v11 =	vand.u32 $0xFF00, v11;
	v3 =	vld.idx.msk [tilespmem:v12+s4+$0x0], $0xffff;
	v12 =	vand.u32 $0xFF, v1;
	v1 =	vmovc v0;
	v0 =	vmovc v4  }
0x4d: {  	v5 =	vand.u32 $0xFF0000, v5;
	v13 =	vshra.s32 v13, $0x14;
	v4 =	vor.u32 v12, v11  }
0x4e: {  	v12 =	vshra.s32 v18, $0x18;
	v11 =	vshll.u32 v7, $0x18;
	v19 =	vor.u32 v5, v4  }
0x4f: {  	v15 =	vshra.s32 v15, $0x14;
	v7 =	vand.u32 $0x7, v16;
	v4 =	vld.idx.msk [tilespmem:v8+s4+$0x0], $0xffff;
	v18 =	vor.u32 v11, v19  }
.Ltmp0:
0x50: {  	v11 =	vand.u32 $0x7, v14;
	v8 =	vand.u32 $0xFFFFFFF0, v10;
	v10 =	vshrl.u32 v9, $0x6;
	v5 =	vmovc v9;
	[tilespmem:s5+$0x2F00] =	vst v18;
	s5 =	smov.u32 s6;
	s6 =	smov.u32 s7;
	(pc) =	sbr.rel @p0 .LBB2_1-.Ltmp0, $4  }
0x51: {  	v13 =	vand.u32 $0xFFFFFFF0, v13;
	v18 =	vand.u32 $0xFFFFFFF0, v15;
	v10 =	vand.u32 $0x4, v10;
	s7 =	smov.u32 s8  }
0x52: {  	v8 =	vadd.s32 v16, v8;
	v19 =	vshrl.u32 v3, $0x7;
	v6 =	vor.u32 v10, v6;
	v9 =	vld [tilespmem:s6+$0x1800]  }
0x53: {  	v15 =	vadd.s32 v14, v13;
	v13 =	vand.u32 $0x2, v19;
	v19 =	vshll.u32 v6, $0x8;
	v10 =	vld [tilespmem:s6+$0x1C00]  }
0x54: {  	s8 =	sshra.s32 s9, $0x2;
	s9 =	sadd.s32 $0x40, s9;
	v16 =	vadd.s32 v12, v18;
	v6 =	vor.u32 v17, v13;
	v13 =	vadd.s32 v19, v8;
	v14 =	vld [tilespmem:s7+$0x1000]  }
0x55: {  	v8 =	vld [tilespmem:s8+$0x400]  }
0x56: {  	v17 =	vld [tilespmem:s8+$0x0];
	_ =	sdelay $0x3  }
0x57: {  	v8 =	vmul.u32 $0x1020408, v8  }
0x58: {  	v17 =	vmul.u32 $0x1020408, v17  }
0x59: {  	v8 =	vshra.s32 v8, $0x14  }
0x5a: {  	v17 =	vshra.s32 v17, $0x18;
	v8 =	vand.u32 $0xFFFFFFF0, v8  }
0x5b: {  	v8 =	vadd.s32 v17, v8;
	_ =	sdelay $0x2  }
0x5c: {  	v62 =	vld [tilespmem:s8+$0xC00]  }
0x5d: {  	v18 =	vld [tilespmem:s8+$0x800]  }
0x5e: {  	v8 =	vld.idx.msk [tilespmem:v8+s4+$0x0], $0xffff;
	_ =	sdelay $0x1  }
0x5f: {  	v19 =	vshrl.u32 v4, $0x8  }
0x60: {  	v19 =	vand.u32 $0x1, v19;
	v17 =	vmul.u32 $0x1020408, v62  }
0x61: {  	v12 =	vand.u32 $0x7, v12;
	v20 =	vshll.u32 v19, $0x8;
	v18 =	vmul.u32 $0x1020408, v18  }
0x62: {  	v16 =	vadd.s32 v20, v16;
	v17 =	vshra.s32 v17, $0x14;
	v63 =	vshrl.u32 v8, $0x8  }
0x63: {  	v18 =	vshra.s32 v18, $0x18;
	v17 =	vand.u32 $0xFFFFFFF0, v17;
	v20 =	vand.u32 $0x1, v63  }
0x64: {  	v16 =	vand.u32 $0xFFFFFFF8, v16;
	v21 =	vadd.s32 v18, v17;
	v22 =	vshll.u32 v20, $0x8  }
0x65: {  	v12 =	vor.u32 v12, v16;
	v16 =	vadd.s32 v22, v21  }
0x66: {  	v12 =	vadd.s32 $0x100, v12;
	v23 =	vand.u32 $0x7, v18;
	v16 =	vand.u32 $0xFFFFFFF8, v16  }
0x67: {  	v16 =	vor.u32 v23, v16  }
0x68: {  	v24 =	vld [tilespmem:s7+$0x1400];
	v16 =	vadd.s32 $0x100, v16  }
0x69: {  	v27 =	vld [tilespmem:s8+$0x1000]  }
0x6a: {  	v26 =	vld [tilespmem:s8+$0x1400]  }
0x6b: {  	v25 =	vshll.u32 v6, $0x8;
	v12 =	vld.idx.msk [tilespmem:v12+s4+$0x0], $0xffff  }
0x6c: {  	v15 =	vadd.s32 v25, v15  }
0x6d: {  	v15 =	vand.u32 $0xFFFFFFF8, v15;
	v14 =	vmul.u32 $0x1020408, v14;
	v16 =	vld.idx.msk [tilespmem:v16+s4+$0x0], $0xffff  }
0x6e: {  	v11 =	vor.u32 v11, v15;
	v15 =	vmul.u32 $0x1020408, v27;
	v17 =	vmul.u32 $0x1020408, v24  }
0x6f: {  	v11 =	vadd.s32 $0x300, v11;
	v14 =	vshra.s32 v14, $0x18;
	v18 =	vmul.u32 $0x1020408, v26  }
0x70: {  	v15 =	vshra.s32 v15, $0x18;
	v17 =	vshra.s32 v17, $0x14;
	v21 =	vshrl.u32 v12, $0x7  }
0x71: {  	v18 =	vshra.s32 v18, $0x14;
	v17 =	vand.u32 $0xFFFFFFF0, v17;
	v21 =	vand.u32 $0x2, v21  }
0x72: {  	v18 =	vand.u32 $0xFFFFFFF0, v18;
	v19 =	vor.u32 v19, v21;
	v22 =	vshrl.u32 v16, $0x7  }
0x73: {  	v17 =	vadd.s32 v14, v17;
	v21 =	vshll.u32 v19, $0x8;
	v28 =	vand.u32 $0x2, v22  }
0x74: {  	v14 =	vand.u32 $0x7, v14;
	v17 =	vadd.s32 v21, v17;
	v20 =	vor.u32 v20, v28  }
0x75: {  	v29 =	vadd.s32 v15, v18;
	v17 =	vand.u32 $0xFFFFFFF8, v17;
	v30 =	vshll.u32 v20, $0x8  }
0x76: {  	v11 =	vld.idx.msk [tilespmem:v11+s4+$0x0], $0xffff;
	v14 =	vor.u32 v14, v17;
	v17 =	vadd.s32 v30, v29  }
0x77: {  	v15 =	vand.u32 $0x7, v15;
	v17 =	vand.u32 $0xFFFFFFF8, v17  }
0x78: {  	v35 =	vld [tilespmem:s7+$0x1800];
	v14 =	vadd.s32 $0x300, v14;
	v15 =	vor.u32 v15, v17  }
0x79: {  	v13 =	vand.u32 $0xFFFFFFF8, v13;
	v36 =	vld [tilespmem:s8+$0x1800];
	v2 =	vshll.u32 v2, $0x8;
	v15 =	vadd.s32 $0x300, v15  }
0x7a: {  	v33 =	vld [tilespmem:s7+$0x1C00];
	v7 =	vor.u32 v7, v13;
	v9 =	vmul.u32 $0x1020408, v9;
	v10 =	vmul.u32 $0x1020408, v10  }
0x7b: {  	v37 =	vld [tilespmem:s8+$0x1C00];
	v1 =	vand.u32 $0xFF, v1;
	v7 =	vadd.s32 $0x700, v7;
	v31 =	vshrl.u32 v11, $0x6  }
0x7c: {  	v9 =	vshra.s32 v9, $0x18;
	v10 =	vshra.s32 v10, $0x14;
	v32 =	vand.u32 $0x4, v31  }
0x7d: {  	v38 =	vmul.u32 $0x1020408, v35;
	v10 =	vand.u32 $0xFFFFFFF0, v10;
	v34 =	vor.u32 v32, v6;
	v14 =	vld.idx.msk [tilespmem:v14+s4+$0x0], $0xffff  }
0x7e: {  	v13 =	vmul.u32 $0x1020408, v36;
	v10 =	vadd.s32 v9, v10;
	v6 =	vshll.u32 v34, $0x8;
	v15 =	vld.idx.msk [tilespmem:v15+s4+$0x0], $0xffff  }
0x7f: {  	v9 =	vand.u32 $0x7, v9;
	v18 =	vmul.u32 $0x1020408, v33;
	v6 =	vadd.s32 v6, v10  }
0x80: {  	v13 =	vshra.s32 v13, $0x18;
	v10 =	vmul.u32 $0x1020408, v37;
	v6 =	vand.u32 $0xFFFFFFF8, v6  }
0x81: {  	v39 =	vshra.s32 v18, $0x14;
	v6 =	vor.u32 v9, v6;
	v9 =	vshra.s32 v38, $0x18  }
0x82: {  	v10 =	vshra.s32 v10, $0x14;
	v6 =	vadd.s32 $0x700, v6;
	v40 =	vshrl.u32 v14, $0x6  }
0x83: {  	v10 =	vand.u32 $0xFFFFFFF0, v10;
	v18 =	vand.u32 $0x4, v40;
	v41 =	vshrl.u32 v15, $0x6  }
0x84: {  	v17 =	vand.u32 $0xFFFFFFF0, v39;
	v18 =	vor.u32 v18, v19;
	v19 =	vand.u32 $0x4, v41  }
0x85: {  	v17 =	vadd.s32 v9, v17;
	v18 =	vshll.u32 v18, $0x8;
	v19 =	vor.u32 v19, v20  }
0x86: {  	v10 =	vadd.s32 v13, v10;
	v17 =	vadd.s32 v18, v17;
	v42 =	vshll.u32 v19, $0x8  }
0x87: {  	v9 =	vand.u32 $0x7, v9;
	v17 =	vand.u32 $0xFFFFFFF8, v17;
	v10 =	vadd.s32 v42, v10  }
0x88: {  	v7 =	vld.idx.msk [tilespmem:v7+s4+$0x0], $0xffff;
	v13 =	vand.u32 $0x7, v13;
	v9 =	vor.u32 v9, v17;
	v10 =	vand.u32 $0xFFFFFFF8, v10  }
0x89: {  	v5 =	vshll.u32 v5, $0x10;
	v9 =	vadd.s32 $0x700, v9;
	v10 =	vor.u32 v13, v10  }
0x8a: {  	v3 =	vshll.u32 v3, $0x8;
	v0 =	vand.u32 $0xFF, v0;
	v44 =	vadd.s32 $0x700, v10  }
0x8b: {  	v50 =	vand.u32 $0xFF, v4;
	v2 =	vand.u32 $0xFF00, v2;
	v3 =	vand.u32 $0xFF00, v3;
	v45 =	vld.idx.msk [tilespmem:v6+s4+$0x0], $0xffff  }
0x8c: {  	v43 =	vand.u32 $0xFF0000, v5;
	v1 =	vor.u32 v1, v2;
	v0 =	vor.u32 v0, v3  }
0x8d: {  	v1 =	vor.u32 v43, v1;
	v7 =	vshll.u32 v7, $0x18;
	v46 =	vshll.u32 v11, $0x10  }
0x8e: {  	v1 =	vor.u32 v7, v1;
	v47 =	vand.u32 $0xFF0000, v46;
	v49 =	vshll.u32 v12, $0x8;
	v48 =	vld.idx.msk [tilespmem:v9+s4+$0x0], $0xffff  }
0x8f: {  	v0 =	vor.u32 v47, v0;
	v55 =	vand.u32 $0xFF, v8;
	v6 =	vand.u32 $0xFF00, v49;
	v5 =	vld.idx.msk [tilespmem:v44+s4+$0x0], $0xffff  }
0x90: {  	v4 =	vor.u32 v50, v6;
	v2 =	vshll.u32 v45, $0x18;
	v51 =	vshll.u32 v14, $0x10  }
0x91: {  	v0 =	vor.u32 v2, v0;
	v54 =	vshll.u32 v16, $0x8;
	v52 =	vand.u32 $0xFF0000, v51  }
0x92: {  	v53 =	vor.u32 v52, v4;
	v4 =	vand.u32 $0xFF00, v54;
	v56 =	vshll.u32 v15, $0x10  }
0x93: {  	[tilespmem:s5+$0x2F00] =	vst v1;
	v58 =	vor.u32 v55, v4;
	v59 =	vand.u32 $0xFF0000, v56;
	v57 =	vshll.u32 v48, $0x18  }
0x94: {  	[tilespmem:s6+$0x2F00] =	vst v0;
	v61 =	vor.u32 v59, v58;
	v60 =	vor.u32 v57, v53;
	v62 =	vshll.u32 v5, $0x18  }
0x95: {  	s2 =	sadd.s32 s2, s3;
	[tilespmem:s7+$0x2F00] =	vst v60;
	v63 =	vor.u32 v62, v61  }
0x96: {  	s29 =	simm.s32 $0x0;
	s30 =	simm.s32 $0x2F00;
	s31 =	simm.s32 $0x2;
	[tilespmem:s8+$0x2F00] =	vst v63  }
0x97: {  	[hbm4b:s2+s29] =	stream.linear.scatter [tilespmem:s30], [sflag:$0x2], $0x400, $0x38;
	[tilespmem:$0x3300] =	vst v63  }
0x98: {  	_ =	swait.ge [sflag:s31], $0x400  }
0x99: {  	[sflag:s31] =	ssyncset.done $0x0  }
0x9a: {  	[sflag:s31] =	ssyncadd.s32 $0xFFFFFC00  }
0x9b: {  	_ =	sfence.sel $0x180000  }
0x9c: {  	[bflag:$0x0] =	sbarrier.arrive $0xFFFF  }
0x9d: {  	p0 =	sne.s32 s1, $0x0;
	_ =	strace $0x90000047  }
0x9e: {  	s0 =	sadd.s32 @!p0 $0x100000, s0;
	[bflag:$0x2] =	sbarrier.arrive $0xFFFF  }
0x9f: {  	[sflag:s0] =	ssyncadd.tile.s32 @!p0 $0x1;
	_ =	shalt  }
.Lfunc_end2:
_tile_overlayer_lowered:
.L_overlay_start_2:
0xa0: {  	(tag) =	ssettag $0x2  }
0xa1: {  	s0 =	rddreg [dreg:$0x0];
	s2 =	stileid.u32  }
0xa2: {  	s1 =	rddreg [dreg:$0x1];
	p0 =	sne.s32 s2, $0x0  }
0xa3: {  	s3 =	rddreg [dreg:$0x2];
	[bflag:$0x3] =	sbarrier.arrive $0xFFFF;
	s2 =	simm.s32 @!p0 $0x1C02  }
0xa4: {  	[timem:s3], [sflag:s2] =	dma.local @!p0 [hbm:s0], s1  }
0xa5: {  	s0 =	simm.s32 @!p0 $0x2  }
0xa6: {  	_ =	swait.ge @!p0 [sflag:s0], s1  }
0xa7: {  	s1 =	ssub.s32 @!p0 $0x0, s1;
	[sflag:s0] =	ssyncset.done @!p0 $0x0  }
0xa8: {  	[sflag:s0] =	ssyncadd.s32 @!p0 s1  }
0xa9: {  	[bflag:$0x3] =	sbarrier.arrive $0xFFFF  }
0xaa: {  	_ =	shalt  }

</sc_bundles>
